<compile_context>
chip_gen: v7x
topology: tpu7x:2x2x1
jax: 0.10.2.dev20260603
libtpu: 0.0.44.dev20260713+nightly
codegen_flags: <defaults>
</compile_context>

<pallas_src>
import functools

import jax
import jax.numpy as jnp
from jax.experimental import pallas as pl
from jax.experimental.pallas import tpu as pltpu

_ONES_W = 128


def _p1_kernel(a_ref, x_ref, m1_ref, invn_ref, s_scr, *, nsteps, d):
    i = pl.program_id(0)
    a = a_ref[...]
    y = x_ref[...]
    y2 = (y * y).astype(jnp.bfloat16)
    ones_rows = jnp.ones((y.shape[0], _ONES_W), jnp.bfloat16)
    y_aug = jnp.concatenate([y2, ones_rows], axis=1)
    part = jax.lax.dot_general(
        y_aug, a, (((0,), (0,)), ((), ())), preferred_element_type=jnp.float32
    )

    @pl.when(i == 0)
    def _init():
        s_scr[...] = part

    @pl.when(i > 0)
    def _acc():
        s_scr[...] += part

    @pl.when(i == nsteps - 1)
    def _finish():
        invn = 1.0 / jnp.maximum(s_scr[d : d + 1, :], 1.0)
        m1_ref[...] = jnp.transpose((s_scr[:d, :] * invn).astype(jnp.bfloat16))
        invn_ref[...] = invn


def _p2_kernel(a_ref, m1_ref, w1_ref, invn_ref, m2_ref, inve_ref, s_scr,
               *, nsteps, d):
    i = pl.program_id(0)
    a = a_ref[...]
    ones_cols = jnp.ones((a.shape[1], _ONES_W), jnp.bfloat16)
    m1_aug = jnp.concatenate([m1_ref[...], ones_cols], axis=1)
    z_aug = jnp.dot(a, m1_aug, preferred_element_type=jnp.float32)
    inve = 1.0 / jnp.maximum(z_aug[:, d : d + 1], 1.0)
    inve_ref[...] = inve
    u = jnp.sqrt(z_aug[:, :d] * inve)
    h = jnp.maximum(
        jnp.dot(u.astype(jnp.bfloat16), w1_ref[...],
                preferred_element_type=jnp.float32),
        0.0,
    )
    h2 = (h * h).astype(jnp.bfloat16)
    part = jax.lax.dot_general(
        h2, a, (((0,), (0,)), ((), ())), preferred_element_type=jnp.float32
    )

    @pl.when(i == 0)
    def _init():
        s_scr[...] = part

    @pl.when(i > 0)
    def _acc():
        s_scr[...] += part

    @pl.when(i == nsteps - 1)
    def _finish():
        m2_ref[...] = jnp.transpose(
            (s_scr[...] * invn_ref[...]).astype(jnp.bfloat16)
        )


def _p3_kernel(a_ref, m2_ref, w2_ref, inve_ref, out_ref):
    a = a_ref[...]
    z = jnp.dot(a, m2_ref[...], preferred_element_type=jnp.float32)
    u = jnp.sqrt(z * inve_ref[...])
    out_ref[...] = jnp.maximum(
        jnp.dot(u.astype(jnp.bfloat16), w2_ref[...],
                preferred_element_type=jnp.float32),
        0.0,
    )


def kernel(x_0, incidence, W1, W2):
    n, d = x_0.shape
    e = incidence.shape[1]
    ep = 2048
    bn = 2000
    nsteps = n // bn

    a16 = jnp.concatenate(
        [incidence.astype(jnp.bfloat16), jnp.zeros((n, ep - e), jnp.bfloat16)],
        axis=1,
    )
    w1_16 = W1.astype(jnp.bfloat16)
    w2_16 = W2.astype(jnp.bfloat16)

    m1, invn = pl.pallas_call(
        functools.partial(_p1_kernel, nsteps=nsteps, d=d),
        grid=(nsteps,),
        in_specs=[
            pl.BlockSpec((bn, ep), lambda i: (i, 0)),
            pl.BlockSpec((bn, d), lambda i: (i, 0)),
        ],
        out_specs=[
            pl.BlockSpec((ep, d), lambda i: (0, 0)),
            pl.BlockSpec((1, ep), lambda i: (0, 0)),
        ],
        out_shape=[
            jax.ShapeDtypeStruct((ep, d), jnp.bfloat16),
            jax.ShapeDtypeStruct((1, ep), jnp.float32),
        ],
        scratch_shapes=[pltpu.VMEM((d + _ONES_W, ep), jnp.float32)],
    )(a16, x_0)

    m2, inve = pl.pallas_call(
        functools.partial(_p2_kernel, nsteps=nsteps, d=d),
        grid=(nsteps,),
        in_specs=[
            pl.BlockSpec((bn, ep), lambda i: (i, 0)),
            pl.BlockSpec((ep, d), lambda i: (0, 0)),
            pl.BlockSpec((d, d), lambda i: (0, 0)),
            pl.BlockSpec((1, ep), lambda i: (0, 0)),
        ],
        out_specs=[
            pl.BlockSpec((ep, d), lambda i: (0, 0)),
            pl.BlockSpec((bn, 1), lambda i: (i, 0)),
        ],
        out_shape=[
            jax.ShapeDtypeStruct((ep, d), jnp.bfloat16),
            jax.ShapeDtypeStruct((n, 1), jnp.float32),
        ],
        scratch_shapes=[pltpu.VMEM((d, ep), jnp.float32)],
    )(a16, m1, w1_16, invn)

    out = pl.pallas_call(
        _p3_kernel,
        grid=(nsteps,),
        in_specs=[
            pl.BlockSpec((bn, ep), lambda i: (i, 0)),
            pl.BlockSpec((ep, d), lambda i: (0, 0)),
            pl.BlockSpec((d, d), lambda i: (0, 0)),
            pl.BlockSpec((bn, 1), lambda i: (i, 0)),
        ],
        out_specs=pl.BlockSpec((bn, d), lambda i: (i, 0)),
        out_shape=jax.ShapeDtypeStruct((n, d), jnp.float32),
    )(a16, m2, w2_16, inve)

    return out

# --- scband reference (transcript-rebuilt; emitter-appended) ---
"""Pipeline reference for scband-hyper-sage-27496380629499 (READ-ONLY COPY).

The authoritative reference and input builder live on the scoring server;
editing this copy changes nothing except your own understanding.
"""

import jax, jax.numpy as jnp
import numpy as np

P = 2.0


def _hypersage_layer(x, incidence, W):
    # intra-edge aggregation: generalized mean (power P) of node features per hyperedge
    n_per_edge = jnp.sum(incidence, axis=0)  # [E] number of nodes in each hyperedge
    intra = incidence.T @ jnp.power(x, P)    # [E, d] sum of x^p over nodes in edge
    intra = jnp.power(intra / jnp.maximum(n_per_edge, 1.0)[:, None], 1.0 / P)
    # inter-edge aggregation: generalized mean (power P) of edge messages per node
    e_per_node = jnp.sum(incidence, axis=1)  # [N] number of hyperedges containing node
    inter = incidence @ jnp.power(intra, P)  # [N, d]
    inter = jnp.power(inter / jnp.maximum(e_per_node, 1.0)[:, None], 1.0 / P)
    # update: linear transform + relu (default update_func)
    return jax.nn.relu(inter @ W)


def setup_inputs(seed: int = 0) -> dict:
    key = jax.random.key(seed)
    k1, k2, k3, k4 = jax.random.split(key, 4)
    n_nodes, n_edges, d_in, d_hid = 10000, 2000, 256, 256
    x_0 = jax.random.normal(k1, (n_nodes, d_in), dtype=jnp.float32)
    # binary incidence matrix (0/1), values in [0, 2)
    incidence = jax.random.randint(k2, (n_nodes, n_edges), 0, 2).astype(jnp.float32)
    bound1 = 1.0 / np.sqrt(d_in)
    bound2 = 1.0 / np.sqrt(d_hid)
    W1 = jax.random.uniform(k3, (d_in, d_hid), minval=-bound1, maxval=bound1, dtype=jnp.float32)
    W2 = jax.random.uniform(k4, (d_hid, d_hid), minval=-bound2, maxval=bound2, dtype=jnp.float32)
    return {"x_0": x_0, "incidence": incidence, "W1": W1, "W2": W2}


def reference(x_0, incidence, W1, W2):
    # HyperSAGE with n_layers=2: layer1 (in->hidden), layer2 (hidden->hidden)
    x = _hypersage_layer(x_0, incidence, W1)
    x = _hypersage_layer(x, incidence, W2)
    return x

if __name__ == "__main__":
    import jax
    _d = setup_inputs()
    print(jax.jit(kernel)(*tuple(_d.values())))

</pallas_src>

<mosaic_0001>
module attributes {stable_mosaic.version = 14 : i64} {
  func.func @_p1_kernel(%arg0: i32, %arg1: memref<2000x2048xbf16, #tpu.memory_space<vmem>>, %arg2: memref<2000x256xf32, #tpu.memory_space<vmem>>, %arg3: memref<2048x256xbf16, #tpu.memory_space<vmem>>, %arg4: memref<1x2048xf32, #tpu.memory_space<vmem>>, %arg5: memref<384x2048xf32, #tpu.memory_space<vmem>>) attributes {dimension_semantics = [#tpu.dimension_semantics<arbitrary>], iteration_bounds = array<i64: 5>, scalar_prefetch = 0 : i64, scratch_operands = 1 : i64, tpu.core_type = #tpu.core_type<tc>, window_params = [{transform_indices = @transform_0, window_bounds = array<i64: 2000, 2048>}, {transform_indices = @transform_1, window_bounds = array<i64: 2000, 256>}, {pipeline_mode = #tpu.pipeline_mode<synchronous>, transform_indices = @transform_2, window_bounds = array<i64: 2048, 256>}, {pipeline_mode = #tpu.pipeline_mode<synchronous>, transform_indices = @transform_3, window_bounds = array<i64: 1, 2048>}]} {
    %get3A = arith.constant 0 : index
    %get3A_0 = arith.constant 0 : index
    %get3A_1 = vector.load %arg1[%get3A, %get3A_0] : memref<2000x2048xbf16, #tpu.memory_space<vmem>>, vector<2000x2048xbf16>
    %get3A_2 = arith.constant 0 : index
    %get3A_3 = arith.constant 0 : index
    %get3A_4 = vector.load %arg2[%get3A_2, %get3A_3] : memref<2000x256xf32, #tpu.memory_space<vmem>>, vector<2000x256xf32>
    %mul3A = arith.mulf %get3A_4, %get3A_4 : vector<2000x256xf32>
    %convert_element_type3A = arith.truncf %mul3A : vector<2000x256xf32> to vector<2000x256xbf16>
    %broadcast_in_dim3A = arith.constant 1.000000e+00 : bf16
    %broadcast_in_dim3A_5 = vector.broadcast %broadcast_in_dim3A : bf16 to vector<2000x128xbf16>
    %concatenate3A = tpu.concatenate %convert_element_type3A, %broadcast_in_dim3A_5 in 1 : vector<2000x256xbf16>, vector<2000x128xbf16> -> vector<2000x384xbf16>
    %dot_general3A = arith.constant dense<0.000000e+00> : vector<384x2048xf32>
    %dot_general3A_6 = tpu.matmul %concatenate3A, %get3A_1, %dot_general3A {dimension_numbers = #tpu.dot_dimension_numbers<[0], [0], [1], [1], [0, 1, 1, 1], [], []>, transpose_lhs_hint = false} : vector<2000x384xbf16>, vector<2000x2048xbf16>, vector<384x2048xf32> -> vector<384x2048xf32>
    %eq3A = arith.constant 0 : i32
    %eq3A_7 = arith.cmpi eq, %arg0, %eq3A : i32
    %convert_element_type3A_8 = arith.extui %eq3A_7 : i1 to i32
    %cond3A = arith.constant 0 : i32
    %cond3A_9 = arith.cmpi ne, %convert_element_type3A_8, %cond3A : i32
    scf.if %cond3A_9 {
      %swap3A = arith.constant 0 : index
      %swap3A_19 = arith.constant 0 : index
      %swap3A_20 = vector.load %arg5[%swap3A, %swap3A_19] : memref<384x2048xf32, #tpu.memory_space<vmem>>, vector<384x2048xf32>
      tpu.vector_store %arg5[%swap3A, %swap3A_19], %dot_general3A_6 {strides = array<i32>} : memref<384x2048xf32, #tpu.memory_space<vmem>>, vector<384x2048xf32>,
    } else {
    }
    %gt3A = arith.constant 0 : i32
    %gt3A_10 = arith.cmpi sgt, %arg0, %gt3A : i32
    %convert_element_type3A_11 = arith.extui %gt3A_10 : i1 to i32
    %cond3A_12 = arith.constant 0 : i32
    %cond3A_13 = arith.cmpi ne, %convert_element_type3A_11, %cond3A_12 : i32
    scf.if %cond3A_13 {
      %get3A_19 = arith.constant 0 : index
      %get3A_20 = arith.constant 0 : index
      %get3A_21 = vector.load %arg5[%get3A_19, %get3A_20] : memref<384x2048xf32, #tpu.memory_space<vmem>>, vector<384x2048xf32>
      %add3A = arith.addf %get3A_21, %dot_general3A_6 : vector<384x2048xf32>
      %swap3A = arith.constant 0 : index
      %swap3A_22 = arith.constant 0 : index
      %swap3A_23 = vector.load %arg5[%swap3A, %swap3A_22] : memref<384x2048xf32, #tpu.memory_space<vmem>>, vector<384x2048xf32>
      tpu.vector_store %arg5[%swap3A, %swap3A_22], %add3A {strides = array<i32>} : memref<384x2048xf32, #tpu.memory_space<vmem>>, vector<384x2048xf32>,
    } else {
    }
    %eq3A_14 = arith.constant 4 : i32
    %eq3A_15 = arith.cmpi eq, %arg0, %eq3A_14 : i32
    %convert_element_type3A_16 = arith.extui %eq3A_15 : i1 to i32
    %cond3A_17 = arith.constant 0 : i32
    %cond3A_18 = arith.cmpi ne, %convert_element_type3A_16, %cond3A_17 : i32
    scf.if %cond3A_18 {
      %get3A_19 = arith.constant 256 : index
      %get3A_20 = arith.constant 0 : index
      %get3A_21 = vector.load %arg5[%get3A_19, %get3A_20] : memref<384x2048xf32, #tpu.memory_space<vmem>>, vector<1x2048xf32>
      %max3A = arith.constant 1.000000e+00 : f32
      %max3A_22 = vector.broadcast %max3A : f32 to vector<1x2048xf32>
      %max3A_23 = arith.maximumf %get3A_21, %max3A_22 : vector<1x2048xf32>
      %div3A = arith.constant 1.000000e+00 : f32
      %div3A_24 = vector.broadcast %div3A : f32 to vector<1x2048xf32>
      %div3A_25 = arith.divf %div3A_24, %max3A_23 : vector<1x2048xf32>
      %get3A_26 = arith.constant 0 : index
      %get3A_27 = arith.constant 0 : index
      %get3A_28 = vector.load %arg5[%get3A_26, %get3A_27] : memref<384x2048xf32, #tpu.memory_space<vmem>>, vector<256x2048xf32>
      %mul3A_29 = vector.broadcast %div3A_25 : vector<1x2048xf32> to vector<256x2048xf32>
      %mul3A_30 = arith.mulf %get3A_28, %mul3A_29 : vector<256x2048xf32>
      %convert_element_type3A_31 = arith.truncf %mul3A_30 : vector<256x2048xf32> to vector<256x2048xbf16>
      %transpose3A = tpu.transpose %convert_element_type3A_31, [1, 0] : vector<256x2048xbf16> -> vector<2048x256xbf16>
      %swap3A = arith.constant 0 : index
      %swap3A_32 = arith.constant 0 : index
      %swap3A_33 = vector.load %arg3[%swap3A, %swap3A_32] : memref<2048x256xbf16, #tpu.memory_space<vmem>>, vector<2048x256xbf16>
      tpu.vector_store %arg3[%swap3A, %swap3A_32], %transpose3A {strides = array<i32>} : memref<2048x256xbf16, #tpu.memory_space<vmem>>, vector<2048x256xbf16>,
      %swap3A_34 = arith.constant 0 : index
      %swap3A_35 = arith.constant 0 : index
      %swap3A_36 = vector.load %arg4[%swap3A_34, %swap3A_35] : memref<1x2048xf32, #tpu.memory_space<vmem>>, vector<1x2048xf32>
      tpu.vector_store %arg4[%swap3A_34, %swap3A_35], %div3A_25 {strides = array<i32>} : memref<1x2048xf32, #tpu.memory_space<vmem>>, vector<1x2048xf32>,
    } else {
    }
    return
  }
  func.func @transform_0(%arg0: i32) -> (i32, i32) {
    %c0_i32 = arith.constant 0 : i32
    %c0_i32_0 = arith.constant 0 : i32
    return %arg0, %c0_i32 : i32, i32
  }
  func.func @transform_1(%arg0: i32) -> (i32, i32) {
    %c0_i32 = arith.constant 0 : i32
    %c0_i32_0 = arith.constant 0 : i32
    return %arg0, %c0_i32 : i32, i32
  }
  func.func @transform_2(%arg0: i32) -> (i32, i32) {
    %c0_i32 = arith.constant 0 : i32
    %c0_i32_0 = arith.constant 0 : i32
    %c0_i32_1 = arith.constant 0 : i32
    return %c0_i32, %c0_i32_0 : i32, i32
  }
  func.func @transform_3(%arg0: i32) -> (i32, i32) {
    %c0_i32 = arith.constant 0 : i32
    %c0_i32_0 = arith.constant 0 : i32
    %c0_i32_1 = arith.constant 0 : i32
    return %c0_i32, %c0_i32_0 : i32, i32
  }
}

module attributes {stable_mosaic.version = 14 : i64} {
  func.func @_p2_kernel(%arg0: i32, %arg1: memref<2000x2048xbf16, #tpu.memory_space<vmem>>, %arg2: memref<2048x256xbf16, #tpu.memory_space<vmem>>, %arg3: memref<256x256xbf16, #tpu.memory_space<vmem>>, %arg4: memref<1x2048xf32, #tpu.memory_space<vmem>>, %arg5: memref<2048x256xbf16, #tpu.memory_space<vmem>>, %arg6: memref<2000x1xf32, #tpu.memory_space<vmem>>, %arg7: memref<256x2048xf32, #tpu.memory_space<vmem>>) attributes {dimension_semantics = [#tpu.dimension_semantics<arbitrary>], iteration_bounds = array<i64: 5>, scalar_prefetch = 0 : i64, scratch_operands = 1 : i64, tpu.core_type = #tpu.core_type<tc>, window_params = [{transform_indices = @transform_0, window_bounds = array<i64: 2000, 2048>}, {pipeline_mode = #tpu.pipeline_mode<synchronous>, transform_indices = @transform_1, window_bounds = array<i64: 2048, 256>}, {pipeline_mode = #tpu.pipeline_mode<synchronous>, transform_indices = @transform_2, window_bounds = array<i64: 256, 256>}, {pipeline_mode = #tpu.pipeline_mode<synchronous>, transform_indices = @transform_3, window_bounds = array<i64: 1, 2048>}, {pipeline_mode = #tpu.pipeline_mode<synchronous>, transform_indices = @transform_4, window_bounds = array<i64: 2048, 256>}, {transform_indices = @transform_5, window_bounds = array<i64: 2000, 1>}]} {
    %get3A = arith.constant 0 : index
    %get3A_0 = arith.constant 0 : index
    %get3A_1 = vector.load %arg1[%get3A, %get3A_0] : memref<2000x2048xbf16, #tpu.memory_space<vmem>>, vector<2000x2048xbf16>
    %broadcast_in_dim3A = arith.constant 1.000000e+00 : bf16
    %broadcast_in_dim3A_2 = vector.broadcast %broadcast_in_dim3A : bf16 to vector<2048x128xbf16>
    %get3A_3 = arith.constant 0 : index
    %get3A_4 = arith.constant 0 : index
    %get3A_5 = vector.load %arg2[%get3A_3, %get3A_4] : memref<2048x256xbf16, #tpu.memory_space<vmem>>, vector<2048x256xbf16>
    %concatenate3A = tpu.concatenate %get3A_5, %broadcast_in_dim3A_2 in 1 : vector<2048x256xbf16>, vector<2048x128xbf16> -> vector<2048x384xbf16>
    %dot_general3A = arith.constant dense<0.000000e+00> : vector<2000x384xf32>
    %dot_general3A_6 = tpu.matmul %get3A_1, %concatenate3A, %dot_general3A {dimension_numbers = #tpu.dot_dimension_numbers<[1], [0], [0], [1], [0, 0, 1, 1], [], []>, transpose_lhs_hint = false} : vector<2000x2048xbf16>, vector<2048x384xbf16>, vector<2000x384xf32> -> vector<2000x384xf32>
    %slice3A = vector.extract_strided_slice %dot_general3A_6 {offsets = [0, 256], sizes = [2000, 1], strides = [1, 1]} : vector<2000x384xf32> to vector<2000x1xf32>
    %max3A = arith.constant 1.000000e+00 : f32
    %max3A_7 = vector.broadcast %max3A : f32 to vector<2000x1xf32>
    %max3A_8 = arith.maximumf %slice3A, %max3A_7 : vector<2000x1xf32>
    %div3A = arith.constant 1.000000e+00 : f32
    %div3A_9 = vector.broadcast %div3A : f32 to vector<2000x1xf32>
    %div3A_10 = arith.divf %div3A_9, %max3A_8 : vector<2000x1xf32>
    %swap3A = arith.constant 0 : index
    %swap3A_11 = arith.constant 0 : index
    %swap3A_12 = vector.load %arg6[%swap3A, %swap3A_11] : memref<2000x1xf32, #tpu.memory_space<vmem>>, vector<2000x1xf32>
    tpu.vector_store %arg6[%swap3A, %swap3A_11], %div3A_10 {strides = array<i32>} : memref<2000x1xf32, #tpu.memory_space<vmem>>, vector<2000x1xf32>,
    %slice3A_13 = vector.extract_strided_slice %dot_general3A_6 {offsets = [0, 0], sizes = [2000, 256], strides = [1, 1]} : vector<2000x384xf32> to vector<2000x256xf32>
    %mul3A = vector.broadcast %div3A_10 : vector<2000x1xf32> to vector<2000x256xf32>
    %mul3A_14 = arith.mulf %slice3A_13, %mul3A : vector<2000x256xf32>
    %sqrt3A = math.sqrt %mul3A_14 : vector<2000x256xf32>
    %convert_element_type3A = arith.truncf %sqrt3A : vector<2000x256xf32> to vector<2000x256xbf16>
    %get3A_15 = arith.constant 0 : index
    %get3A_16 = arith.constant 0 : index
    %get3A_17 = vector.load %arg3[%get3A_15, %get3A_16] : memref<256x256xbf16, #tpu.memory_space<vmem>>, vector<256x256xbf16>
    %dot_general3A_18 = arith.constant dense<0.000000e+00> : vector<2000x256xf32>
    %dot_general3A_19 = tpu.matmul %convert_element_type3A, %get3A_17, %dot_general3A_18 {dimension_numbers = #tpu.dot_dimension_numbers<[1], [0], [0], [1], [0, 0, 1, 1], [], []>, transpose_lhs_hint = false} : vector<2000x256xbf16>, vector<256x256xbf16>, vector<2000x256xf32> -> vector<2000x256xf32>
    %max3A_20 = arith.constant 0.000000e+00 : f32
    %max3A_21 = vector.broadcast %max3A_20 : f32 to vector<2000x256xf32>
    %max3A_22 = arith.maximumf %dot_general3A_19, %max3A_21 : vector<2000x256xf32>
    %mul3A_23 = arith.mulf %max3A_22, %max3A_22 : vector<2000x256xf32>
    %convert_element_type3A_24 = arith.truncf %mul3A_23 : vector<2000x256xf32> to vector<2000x256xbf16>
    %dot_general3A_25 = arith.constant dense<0.000000e+00> : vector<256x2048xf32>
    %dot_general3A_26 = tpu.matmul %convert_element_type3A_24, %get3A_1, %dot_general3A_25 {dimension_numbers = #tpu.dot_dimension_numbers<[0], [0], [1], [1], [0, 1, 1, 1], [], []>, transpose_lhs_hint = false} : vector<2000x256xbf16>, vector<2000x2048xbf16>, vector<256x2048xf32> -> vector<256x2048xf32>
    %eq3A = arith.constant 0 : i32
    %eq3A_27 = arith.cmpi eq, %arg0, %eq3A : i32
    %convert_element_type3A_28 = arith.extui %eq3A_27 : i1 to i32
    %cond3A = arith.constant 0 : i32
    %cond3A_29 = arith.cmpi ne, %convert_element_type3A_28, %cond3A : i32
    scf.if %cond3A_29 {
      %swap3A_39 = arith.constant 0 : index
      %swap3A_40 = arith.constant 0 : index
      %swap3A_41 = vector.load %arg7[%swap3A_39, %swap3A_40] : memref<256x2048xf32, #tpu.memory_space<vmem>>, vector<256x2048xf32>
      tpu.vector_store %arg7[%swap3A_39, %swap3A_40], %dot_general3A_26 {strides = array<i32>} : memref<256x2048xf32, #tpu.memory_space<vmem>>, vector<256x2048xf32>,
    } else {
    }
    %gt3A = arith.constant 0 : i32
    %gt3A_30 = arith.cmpi sgt, %arg0, %gt3A : i32
    %convert_element_type3A_31 = arith.extui %gt3A_30 : i1 to i32
    %cond3A_32 = arith.constant 0 : i32
    %cond3A_33 = arith.cmpi ne, %convert_element_type3A_31, %cond3A_32 : i32
    scf.if %cond3A_33 {
      %get3A_39 = arith.constant 0 : index
      %get3A_40 = arith.constant 0 : index
      %get3A_41 = vector.load %arg7[%get3A_39, %get3A_40] : memref<256x2048xf32, #tpu.memory_space<vmem>>, vector<256x2048xf32>
      %add3A = arith.addf %get3A_41, %dot_general3A_26 : vector<256x2048xf32>
      %swap3A_42 = arith.constant 0 : index
      %swap3A_43 = arith.constant 0 : index
      %swap3A_44 = vector.load %arg7[%swap3A_42, %swap3A_43] : memref<256x2048xf32, #tpu.memory_space<vmem>>, vector<256x2048xf32>
      tpu.vector_store %arg7[%swap3A_42, %swap3A_43], %add3A {strides = array<i32>} : memref<256x2048xf32, #tpu.memory_space<vmem>>, vector<256x2048xf32>,
    } else {
    }
    %eq3A_34 = arith.constant 4 : i32
    %eq3A_35 = arith.cmpi eq, %arg0, %eq3A_34 : i32
    %convert_element_type3A_36 = arith.extui %eq3A_35 : i1 to i32
    %cond3A_37 = arith.constant 0 : i32
    %cond3A_38 = arith.cmpi ne, %convert_element_type3A_36, %cond3A_37 : i32
    scf.if %cond3A_38 {
      %get3A_39 = arith.constant 0 : index
      %get3A_40 = arith.constant 0 : index
      %get3A_41 = vector.load %arg7[%get3A_39, %get3A_40] : memref<256x2048xf32, #tpu.memory_space<vmem>>, vector<256x2048xf32>
      %get3A_42 = arith.constant 0 : index
      %get3A_43 = arith.constant 0 : index
      %get3A_44 = vector.load %arg4[%get3A_42, %get3A_43] : memref<1x2048xf32, #tpu.memory_space<vmem>>, vector<1x2048xf32>
      %mul3A_45 = vector.broadcast %get3A_44 : vector<1x2048xf32> to vector<256x2048xf32>
      %mul3A_46 = arith.mulf %get3A_41, %mul3A_45 : vector<256x2048xf32>
      %convert_element_type3A_47 = arith.truncf %mul3A_46 : vector<256x2048xf32> to vector<256x2048xbf16>
      %transpose3A = tpu.transpose %convert_element_type3A_47, [1, 0] : vector<256x2048xbf16> -> vector<2048x256xbf16>
      %swap3A_48 = arith.constant 0 : index
      %swap3A_49 = arith.constant 0 : index
      %swap3A_50 = vector.load %arg5[%swap3A_48, %swap3A_49] : memref<2048x256xbf16, #tpu.memory_space<vmem>>, vector<2048x256xbf16>
      tpu.vector_store %arg5[%swap3A_48, %swap3A_49], %transpose3A {strides = array<i32>} : memref<2048x256xbf16, #tpu.memory_space<vmem>>, vector<2048x256xbf16>,
    } else {
    }
    return
  }
  func.func @transform_0(%arg0: i32) -> (i32, i32) {
    %c0_i32 = arith.constant 0 : i32
    %c0_i32_0 = arith.constant 0 : i32
    return %arg0, %c0_i32 : i32, i32
  }
  func.func @transform_1(%arg0: i32) -> (i32, i32) {
    %c0_i32 = arith.constant 0 : i32
    %c0_i32_0 = arith.constant 0 : i32
    %c0_i32_1 = arith.constant 0 : i32
    return %c0_i32, %c0_i32_0 : i32, i32
  }
  func.func @transform_2(%arg0: i32) -> (i32, i32) {
    %c0_i32 = arith.constant 0 : i32
    %c0_i32_0 = arith.constant 0 : i32
    %c0_i32_1 = arith.constant 0 : i32
    return %c0_i32, %c0_i32_0 : i32, i32
  }
  func.func @transform_3(%arg0: i32) -> (i32, i32) {
    %c0_i32 = arith.constant 0 : i32
    %c0_i32_0 = arith.constant 0 : i32
    %c0_i32_1 = arith.constant 0 : i32
    return %c0_i32, %c0_i32_0 : i32, i32
  }
  func.func @transform_4(%arg0: i32) -> (i32, i32) {
    %c0_i32 = arith.constant 0 : i32
    %c0_i32_0 = arith.constant 0 : i32
    %c0_i32_1 = arith.constant 0 : i32
    return %c0_i32, %c0_i32_0 : i32, i32
  }
  func.func @transform_5(%arg0: i32) -> (i32, i32) {
    %c0_i32 = arith.constant 0 : i32
    %c0_i32_0 = arith.constant 0 : i32
    return %arg0, %c0_i32 : i32, i32
  }
}

module attributes {stable_mosaic.version = 14 : i64} {
  func.func @_p3_kernel(%arg0: i32, %arg1: memref<2000x2048xbf16, #tpu.memory_space<vmem>>, %arg2: memref<2048x256xbf16, #tpu.memory_space<vmem>>, %arg3: memref<256x256xbf16, #tpu.memory_space<vmem>>, %arg4: memref<2000x1xf32, #tpu.memory_space<vmem>>, %arg5: memref<2000x256xf32, #tpu.memory_space<vmem>>) attributes {dimension_semantics = [#tpu.dimension_semantics<arbitrary>], iteration_bounds = array<i64: 5>, scalar_prefetch = 0 : i64, scratch_operands = 0 : i64, tpu.core_type = #tpu.core_type<tc>, window_params = [{transform_indices = @transform_0, window_bounds = array<i64: 2000, 2048>}, {pipeline_mode = #tpu.pipeline_mode<synchronous>, transform_indices = @transform_1, window_bounds = array<i64: 2048, 256>}, {pipeline_mode = #tpu.pipeline_mode<synchronous>, transform_indices = @transform_2, window_bounds = array<i64: 256, 256>}, {transform_indices = @transform_3, window_bounds = array<i64: 2000, 1>}, {transform_indices = @transform_4, window_bounds = array<i64: 2000, 256>}]} {
    %get3A = arith.constant 0 : index
    %get3A_0 = arith.constant 0 : index
    %get3A_1 = vector.load %arg1[%get3A, %get3A_0] : memref<2000x2048xbf16, #tpu.memory_space<vmem>>, vector<2000x2048xbf16>
    %get3A_2 = arith.constant 0 : index
    %get3A_3 = arith.constant 0 : index
    %get3A_4 = vector.load %arg2[%get3A_2, %get3A_3] : memref<2048x256xbf16, #tpu.memory_space<vmem>>, vector<2048x256xbf16>
    %dot_general3A = arith.constant dense<0.000000e+00> : vector<2000x256xf32>
    %dot_general3A_5 = tpu.matmul %get3A_1, %get3A_4, %dot_general3A {dimension_numbers = #tpu.dot_dimension_numbers<[1], [0], [0], [1], [0, 0, 1, 1], [], []>, transpose_lhs_hint = false} : vector<2000x2048xbf16>, vector<2048x256xbf16>, vector<2000x256xf32> -> vector<2000x256xf32>
    %get3A_6 = arith.constant 0 : index
    %get3A_7 = arith.constant 0 : index
    %get3A_8 = vector.load %arg4[%get3A_6, %get3A_7] : memref<2000x1xf32, #tpu.memory_space<vmem>>, vector<2000x1xf32>
    %mul3A = vector.broadcast %get3A_8 : vector<2000x1xf32> to vector<2000x256xf32>
    %mul3A_9 = arith.mulf %dot_general3A_5, %mul3A : vector<2000x256xf32>
    %sqrt3A = math.sqrt %mul3A_9 : vector<2000x256xf32>
    %convert_element_type3A = arith.truncf %sqrt3A : vector<2000x256xf32> to vector<2000x256xbf16>
    %get3A_10 = arith.constant 0 : index
    %get3A_11 = arith.constant 0 : index
    %get3A_12 = vector.load %arg3[%get3A_10, %get3A_11] : memref<256x256xbf16, #tpu.memory_space<vmem>>, vector<256x256xbf16>
    %dot_general3A_13 = arith.constant dense<0.000000e+00> : vector<2000x256xf32>
    %dot_general3A_14 = tpu.matmul %convert_element_type3A, %get3A_12, %dot_general3A_13 {dimension_numbers = #tpu.dot_dimension_numbers<[1], [0], [0], [1], [0, 0, 1, 1], [], []>, transpose_lhs_hint = false} : vector<2000x256xbf16>, vector<256x256xbf16>, vector<2000x256xf32> -> vector<2000x256xf32>
    %max3A = arith.constant 0.000000e+00 : f32
    %max3A_15 = vector.broadcast %max3A : f32 to vector<2000x256xf32>
    %max3A_16 = arith.maximumf %dot_general3A_14, %max3A_15 : vector<2000x256xf32>
    %swap3A = arith.constant 0 : index
    %swap3A_17 = arith.constant 0 : index
    %swap3A_18 = vector.load %arg5[%swap3A, %swap3A_17] : memref<2000x256xf32, #tpu.memory_space<vmem>>, vector<2000x256xf32>
    tpu.vector_store %arg5[%swap3A, %swap3A_17], %max3A_16 {strides = array<i32>} : memref<2000x256xf32, #tpu.memory_space<vmem>>, vector<2000x256xf32>,
    return
  }
  func.func @transform_0(%arg0: i32) -> (i32, i32) {
    %c0_i32 = arith.constant 0 : i32
    %c0_i32_0 = arith.constant 0 : i32
    return %arg0, %c0_i32 : i32, i32
  }
  func.func @transform_1(%arg0: i32) -> (i32, i32) {
    %c0_i32 = arith.constant 0 : i32
    %c0_i32_0 = arith.constant 0 : i32
    %c0_i32_1 = arith.constant 0 : i32
    return %c0_i32, %c0_i32_0 : i32, i32
  }
  func.func @transform_2(%arg0: i32) -> (i32, i32) {
    %c0_i32 = arith.constant 0 : i32
    %c0_i32_0 = arith.constant 0 : i32
    %c0_i32_1 = arith.constant 0 : i32
    return %c0_i32, %c0_i32_0 : i32, i32
  }
  func.func @transform_3(%arg0: i32) -> (i32, i32) {
    %c0_i32 = arith.constant 0 : i32
    %c0_i32_0 = arith.constant 0 : i32
    return %arg0, %c0_i32 : i32, i32
  }
  func.func @transform_4(%arg0: i32) -> (i32, i32) {
    %c0_i32 = arith.constant 0 : i32
    %c0_i32_0 = arith.constant 0 : i32
    return %arg0, %c0_i32 : i32, i32
  }
}

</mosaic_0001>

<sc_bundles>
// kernel: sparse-core-data-format-call.cloned.1.call-start
scs
called_computation_lowered:
.L_overlay_start_0:
0x0: {  	s1 =	sld [smem:$0x3FD9]  }
0x1: {  	s2 =	sld [smem:$0x3FFE];
	_ =	sdelay $0x1  }
0x2: {  	s3 =	srdreg.scid  }
0x3: {  	s0 =	sand.u32 $0x1, s3  }
0x4: {  	s17 =	sshll.u32 s0, $0xA;
	s1 =	sadd.s32 s2, s1  }
0x5: {  	s1 =	sadd.s32 s1, s17  }
0x6: {  	[smem:$0x3FC4] =	sst s1  }
0x7: {  	_ = 	snop  }
0x8: {  	(tm) =	ssettm $0x1  }
0x9: {  	s18 =	sld [smem:$0x3FFB];
	_ =	sdelay $0x3  }
0xa: {  	_ =	strace s18  }
0xb: {  	s1 =	sld [smem:$0x3FFC];
	_ =	sdelay $0x3  }
0xc: {  	_ =	strace s1  }
0xd: {  	s1 =	sld [smem:$0x3FFD];
	_ =	sdelay $0x3  }
0xe: {  	_ =	strace s1  }
0xf: {  	_ =	strace $0x8FFFFFFF  }
0x10: {  	s19 =	sld [smem:$0x3FDB];
	_ =	sdelay $0x1  }
0x11: {  	s20 =	simm.s32 $_scs_section_size  }
0x12: {  	s4 =	simm.s32 $_size__tile_overlayer_lowered;
	s5 =	simm.s32 $_tile_overlayer_lowered  }
0x13: {  	s23 =	simm.s32 $0x1BFF;
	s22 =	sshll.u32 s5, $0x1;
	s1 =	sadd.s32 s20, s19  }
0x14: {  	s6 =	simm.s32 $0x0;
	s21 =	sshll.u32 s4, $0x1;
	s4 =	sadd.s32 s22, s1  }
0x15: {  	[timem:s6], [sflag:s23] =	dma.local [hbm:s4], s21  }
0x16: {  	_ =	swait.ge [sflag:s23], s21  }
0x17: {  	s2 =	ssub.s32 $0x0, s21;
	[sflag:s23] =	ssyncset.done $0x0  }
0x18: {  	[sflag:s23] =	ssyncadd.s32 s2;
	_ =	sdelay $0x1  }
0x19: {  	s24 =	simm.s32 $0x1B8B  }
0x1a: {  	_ =	swait.ge [sflag:s24], $0x1  }
0x1b: {  	[sflag:s24] =	ssyncset.done $0x0  }
0x1c: {  	s26 =	simm.s32 $0x1B8E;
	s25 =	sld [smem:$0x3FFE];
	[sflag:s24] =	ssyncadd.s32 $0xFFFFFFFF  }
0x1d: {  	s27 =	simm.s32 $execute0_lowered;
	[smem:$0x3FD2] =	sst s26  }
0x1e: {  	s4 =	sshll.u32 s27, $0x1;
	_ =	strace $0x80000046;
	[dreg:$0x1] =	wrdreg $0xFFFFFFFF  }
0x1f: {  	s28 =	simm.s32 $_size_execute0_lowered;
	s1 =	sadd.s32 s1, s4;
	[dreg:$0x0] =	wrdreg $0x0  }
0x20: {  	s4 =	sshll.u32 s28, $0x1;
	[dreg:$0x2] =	wrdreg s1  }
0x21: {  	[dreg:$0x3] =	wrdreg s4  }
0x22: {  	[dreg:$0x4] =	wrdreg $0xC0  }
0x23: {  	_ =	task [dreg:s6], $0x5FFFF  }
0x24: {  	[dreg:$0x1] =	wrdreg $0xFFFFFFFF  }
0x25: {  	[dreg:$0x0] =	wrdreg $0x60  }
0x26: {  	[dreg:$0x2] =	wrdreg s25  }
0x27: {  	[dreg:$0x3] =	wrdreg $0x9  }
0x28: {  	_ =	task.clear_ibuf [dreg:s6], $0x4FFFF;
	_ =	strace $0x90000046  }
0x29: {  	s29 =	simm.s32 $0x9;
	_ =	strace $0x80000048  }
0x2a: {  	_ =	swait.ge [sflag:s29], $0x1  }
0x2b: {  	[sflag:s29] =	ssyncadd.s32 $0xFFFFFFFF  }
0x2c: {  	_ =	strace $0x90000048  }
0x2d: {  	_ =	sfence  }
0x2e: {  	s30 =	sld [smem:$0x0];
	_ =	sdelay $0x2  }
0x2f: {  	s31 =	sshll.u32 s3, $0xD;
	s3 =	sshrl.u32 s3, $0x2  }
0x30: {  	s2 =	sand.u32 $0x4000, s31;
	s1 =	sadd.s32 s3, s30  }
0x31: {  	s0 =	sor.u32 s2, s0;
	s1 =	sshll.u32 s1, $0x11  }
0x32: {  	s0 =	sor.u32 s1, s0  }
0x33: {  	s0 =	sadd.s32 $0x8F2B, s0  }
0x34: {  	[sflag:s0] =	ssyncadd.remote.s32 $0x1  }
0x35: {  	_ =	sfence.sel $0xFFFF  }
0x36: {  	[dreg:$0x0] =	wrdreg $0xFFFFFFFF;
	(pc) =	sbr.abs _section_cstart, $3  }
0x37: {  	[dreg:$0x1] =	wrdreg $0xFFFFFFFF  }
0x38: {  	_ =	task.clear_ibuf [dreg:s6], $0x2FFFF;
	_ =	strace $0x9FFFFFFF  }
0x39: {  	(tm) =	ssettm $0x7FFFFFFF  }
tec
execute0_lowered:
.L_overlay_start_1:
0x0: {  	(tag) =	ssettag $0x1  }
0x1: {  	s0 =	rddreg [dreg:$0x0];
	s1 =	srdreg.scid;
	_ =	strace $0x80000047  }
0x2: {  	s28 =	stileid.u32;
	s29 =	simm.s32 $0x1;
	s31 =	simm.s32 $0x2  }
0x3: {  	s16 =	simm.s32 $0x0;
	s15 =	simm.s32 $0x0;
	s10 =	simm.s32 $0x0  }
0x4: {  	s12 =	simm.s32 $0x0;
	s14 =	simm.s32 $0x0;
	s1 =	sshll.u32 s1, $0x7  }
.Ltmp0:
0x5: {  	s2 =	sadd.s32 $0x1800, s0;
	s0 =	sadd.s32 $0x136200, s0;
	(pc) =	sbr.rel .LBB1_1-.Ltmp0, $4  }
0x6: {  	[sflag:s29] =	ssyncpa.u1 $0x0;
	[dreg:$0x2] =	wrdreg s2;
	s4 =	sand.u32 $0x80, s1  }
0x7: {  	s7 =	sshll.u32 s28, $0x7;
	[dreg:$0x3] =	wrdreg s0;
	s30 =	ssub.s32 $0x2700, s4  }
0x8: {  	[sflag:s31] =	ssyncpa.u1 $0x0;
	s13 =	smov.u32 s7;
	s0 =	sshrl.u32 s30, $0x8  }
0x9: {  	s11 =	smov.u32 s4;
	[dreg:$0x4] =	wrdreg s0;
	s8 =	sadd.s32 $0x2, s0  }
.LBB1_12:
0xa: {  	s0 =	sshll.u32 s10, $0xB  }
0xb: {  	s1 =	sshll.u32 s12, $0x3;
	p0 =	sgt.s32 s10, $0x2690;
	s2 =	smov.u32 s10  }
0xc: {  	s5 =	smov.u32 s12;
	s25 =	sshll.u32 s10, $0x7;
	s26 =	sshll.u32 s12, $0x1  }
0xd: {  	s27 =	sand.u32 $0x7, s12;
	s28 =	rddreg [dreg:$0x3];
	s0 =	sand.u32 $0xFFFFC000, s0  }
0xe: {  	s3 =	sand.u32 $0xFFFFFC00, s1;
	s2 =	simm.s32 @!p0 $0x2690;
	p0 =	sgt.s32 s12, $0x780  }
0xf: {  	s0 =	sadd.s32 s3, s0;
	s2 =	sadd.s32 s19, s2;
	s5 =	simm.s32 @!p0 $0x780  }
0x10: {  	s0 =	sshrl.u32 s0, $0xB;
	s23 =	sadd.s32 $0xFFFFD970, s2;
	s5 =	sadd.s32 s17, s5  }
0x11: {  	s2 =	ssub.s32 $0x2710, s2;
	s6 =	smulhi.u32 $0x1A36E3, s0;
	s24 =	sadd.s32 $0xFFFFF880, s5  }
0x12: {  	p0 =	sgt.s32 s23, $0x7F;
	s3 =	ssub.s32 $0x800, s5;
	p1 =	sgt.s32 s24, $0x7F  }
0x13: {  	s1 =	sand.u32 $0x400, s1;
	s2 =	simm.s32 @p0 $0x0;
	s3 =	simm.s32 @p1 $0x0  }
0x14: {  	s6 =	sshrl.u32 s6, $0x2;
	s2 =	smul.u32 s3, s2;
	s3 =	sand.u32 $0xF0, s26  }
0x15: {  	s5 =	sand.u32 $0x300, s25;
	s6 =	smul.u32 $0x2710, s6;
	s1 =	sor.u32 s1, s3  }
0x16: {  	s29 =	sor.u32 $0x4000, s18;
	s31 =	simm.s32 $0x2000;
	s1 =	sor.u32 s5, s1  }
0x17: {  	s3 =	sshll.u32 s27, $0x12;
	s0 =	ssub.s32 s0, s6;
	s1 =	sshrl.u32 s1, $0x4  }
0x18: {  	s2 =	sshrl.u32 s2, $0x1;
	s0 =	sshll.u32 s0, $0x7;
	s1 =	sadd.s32 s28, s1  }
0x19: {  	s30 =	sor.u32 $0x200, s3;
	s2 =	sand.u32 $0x3FFFFFFF, s2;
	s0 =	sadd.s32 s0, s1  }
0x1a: {  	[hbm4b:s0+s30] =	stream.strided.scatter [tilespmem:s29], [sflag:$0x2], s2, s31, s30, $0x20;
	[tilespmem:$0x8080] =	vst v63  }
.LBB1_13:
0x1b: {  	p0 =	slt.u32 s14, $0x2  }
0x1c: {  	s1 =	smov.u32 s16;
	s2 =	smov.u32 s15;
	p1 =	sgt.s32 @!p0 s16, $0x2690  }
0x1d: {  	s0 =	sshra.s32 @!p0 s16, $0x1F;
	p2 =	sgt.s32 @!p0 s15, $0x780;
	s3 =	sshra.s32 @!p0 s15, $0x1F  }
0x1e: {  	p1 =	por !p1, p0;
	s0 =	sand.u32 @!p0 s0, s16;
	p2 =	por !p2, p0  }
0x1f: {  	s3 =	sand.u32 @!p0 s3, s15;
	s1 =	simm.s32 @p1 $0x2690;
	s2 =	simm.s32 @p2 $0x780  }
0x20: {  	s0 =	ssub.s32 @!p0 s1, s0;
	s1 =	ssub.s32 @!p0 s2, s3  }
0x21: {  	s2 =	sadd.s32 @!p0 $0xFFFFD970, s0;
	s3 =	sadd.s32 @!p0 $0xFFFFF880, s1  }
0x22: {  	s0 =	ssub.s32 @!p0 $0x2710, s0;
	p1 =	sgt.s32 @!p0 s2, $0x7F;
	p2 =	sgt.s32 @!p0 s3, $0x7F  }
0x23: {  	s1 =	ssub.s32 @!p0 $0x800, s1;
	p1 =	por !p1, p0;
	p2 =	por !p2, p0  }
0x24: {  	s0 =	simm.s32 @!p1 $0x0;
	s1 =	simm.s32 @!p2 $0x0  }
0x25: {  	s0 =	smul.u32 @!p0 s1, s0;
	s1 =	sadd.s32 $0x100, s11  }
0x26: {  	s5 =	smov.u32 s13;
	s3 =	sadd.s32 $0x800, s13;
	p1 =	sgt.s32 s1, $0x270F  }
0x27: {  	s5 =	smov.u32 @p1 s3  }
0x28: {  	s1 =	smov.u32 @p1 s4;
	p1 =	sgt.s32 s5, $0x7CF  }
0x29: {  	s5 =	smov.u32 @p1 s7;
	p1 =	sne.s32 s14, s8  }
.Ltmp1:
0x2a: {  	s16 =	smov.u32 s10;
	s0 =	sshrl.u32 @!p0 s0, $0x1;
	(pc) =	sbr.rel @!p1 .LBB1_14-.Ltmp1, $4  }
0x2b: {  	s15 =	smov.u32 s12;
	s2 =	simm.s32 @!p0 $0x2;
	s0 =	sand.u32 @!p0 $0x3FFFFFFF, s0  }
0x2c: {  	s10 =	smov.u32 s11;
	s12 =	smov.u32 s13;
	_ =	swait.ge @!p0 [sflag:s2], s0  }
0x2d: {  	s11 =	smov.u32 s1;
	s0 =	ssub.s32 @!p0 $0x0, s0;
	[sflag:s2] =	ssyncset.done @!p0 $0x0  }
0x2e: {  	s14 =	sadd.s32 $0x1, s14;
	s13 =	smov.u32 s5;
	[sflag:s2] =	ssyncadd.s32 @!p0 s0  }
.LBB1_1:
0x2f: {  	s0 =	rddreg [dreg:$0x4]  }
0x30: {  	p0 =	sgt.u32 s14, s0  }
0x31: {  	s6 =	smov.u32 s11;
	s0 =	sshrl.u32 @!p0 s13, $0x3  }
0x32: {  	s1 =	sshll.u32 @!p0 s11, $0x3;
	s2 =	sshll.u32 @!p0 s13, $0x7;
	s0 =	smul.u32 @!p0 $0x13C00, s0  }
0x33: {  	p1 =	sgt.s32 @!p0 s13, $0x750;
	s3 =	sshra.s32 @!p0 s13, $0x1F;
	s1 =	sand.u32 @!p0 $0xFFFFFC00, s1  }
0x34: {  	s0 =	sadd.s32 @!p0 s0, s1;
	s1 =	sand.u32 @!p0 $0x300, s2;
	s2 =	sshll.u32 @!p0 s11, $0x1  }
0x35: {  	s9 =	sshra.s32 @!p0 s11, $0x1F;
	s0 =	sor.u32 @!p0 s1, s0;
	s1 =	sand.u32 @!p0 $0xFE, s2  }
0x36: {  	p1 =	por !p1, p0;
	s2 =	sand.u32 @!p0 $0x1, s13;
	s0 =	sor.u32 @!p0 s1, s0  }
0x37: {  	s3 =	sand.u32 @!p0 s3, s13;
	s1 =	sor.u32 @!p0 s2, s0;
	s2 =	smov.u32 s13  }
0x38: {  	s5 =	smulhi.u32 @!p0 $0xCF6474A9, s1;
	s2 =	simm.s32 @p1 $0x750;
	p1 =	sgt.s32 @!p0 s11, $0x2700  }
0x39: {  	s0 =	smulhi.u32 @!p0 $0xCF6474A9, s0;
	s2 =	ssub.s32 @!p0 s2, s3;
	p1 =	por !p1, p0  }
0x3a: {  	s3 =	sadd.s32 @!p0 $0xFFFFF8B0, s2;
	s6 =	simm.s32 @p1 $0x2700;
	s5 =	sshrl.u32 @!p0 s5, $0xD  }
0x3b: {  	s2 =	ssub.s32 @!p0 $0x7D0, s2;
	p2 =	sgt.s32 @!p0 s3, $0x7F;
	s3 =	sand.u32 @!p0 s9, s11  }
0x3c: {  	s5 =	smul.u32 @!p0 $0x2780, s5;
	s3 =	ssub.s32 @!p0 s6, s3;
	p1 =	por !p2, p0  }
0x3d: {  	s0 =	sshrl.u32 @!p0 s0, $0xD;
	s6 =	sadd.s32 @!p0 $0xFFFFD900, s3;
	s2 =	simm.s32 @!p1 $0x0  }
0x3e: {  	s1 =	ssub.s32 @!p0 s1, s5;
	p1 =	sgt.s32 @!p0 s6, $0x7F;
	s6 =	smulhi.u32 @!p0 $0x20C49C, s0  }
0x3f: {  	s3 =	ssub.s32 @!p0 $0x2780, s3;
	s5 =	sshrl.u32 @!p0 s1, $0x4;
	s1 =	sshll.u32 @!p0 s1, $0x11  }
0x40: {  	p1 =	por !p1, p0;
	s1 =	sand.u32 @!p0 $0x1C0000, s1;
	s6 =	smul.u32 @!p0 $0x7D0, s6  }
0x41: {  	s3 =	simm.s32 @!p1 $0x0;
	s1 =	sor.u32 @!p0 $0x200, s1  }
0x42: {  	s2 =	smul.u32 @!p0 s2, s3;
	s3 =	sxor.u32 @!p0 $0xFFFFFFFF, s14;
	s0 =	ssub.s32 @!p0 s0, s6  }
0x43: {  	s6 =	rddreg [dreg:$0x2];
	s3 =	sshll.u32 @!p0 s3, $0xD;
	s0 =	smul.u32 @!p0 $0x278, s0  }
0x44: {  	s2 =	sshrl.u32 @!p0 s2, $0x1;
	s5 =	sadd.s32 @!p0 s6, s5;
	s3 =	sand.u32 @!p0 $0x2000, s3  }
0x45: {  	s2 =	sand.u32 @!p0 $0x3FFFFFFF, s2;
	s0 =	sadd.s32 @!p0 s0, s5;
	s5 =	simm.s32 @!p0 $0x9E00  }
0x46: {  	[tilespmem:s3], [sflag:$0x1] =	stream.strided.gather @!p0 [hbm4b:s0+s1], s2, s5, s1, $0x38;
	[tilespmem:$0x8080] =	vst v63  }
0x47: {  	p0 =	seq.s32 s14, $0x0  }
0x48: {  	p1 =	sge.u32 @!p0 s14, s8  }
0x49: {  	p0 =	por p0, p1  }
.Ltmp2:
0x4a: {  	_ = 	snop;
	(pc) =	sbr.rel @p0 .LBB1_13-.Ltmp2, $1  }
0x4b: {  	_ =	sdelay $0x3  }
0x4c: {  	s0 =	ssub.s32 $0x0, s12;
	s1 =	sshra.s32 s12, $0x1F  }
0x4d: {  	p0 =	sgt.s32 s12, $0x750;
	s2 =	smov.u32 s12;
	s26 =	ssub.s32 $0x0, s10  }
0x4e: {  	s27 =	sshra.s32 s10, $0x1F;
	s17 =	sand.u32 s0, s1;
	s2 =	simm.s32 @!p0 $0x750  }
0x4f: {  	s3 =	smov.u32 s10;
	p0 =	sgt.s32 s10, $0x2700;
	s2 =	sadd.s32 s17, s2  }
0x50: {  	s19 =	sand.u32 s26, s27;
	s3 =	simm.s32 @!p0 $0x2700;
	s28 =	sadd.s32 $0xFFFFF8B0, s2  }
0x51: {  	s1 =	sadd.s32 s19, s3;
	s2 =	ssub.s32 $0x7D0, s2;
	p0 =	sgt.s32 s28, $0x7F  }
0x52: {  	s29 =	sadd.s32 $0xFFFFD900, s1;
	s0 =	ssub.s32 $0x2780, s1;
	s1 =	sadd.s32 $0x80, s12  }
0x53: {  	p1 =	sgt.s32 s29, $0x7F;
	s2 =	simm.s32 @p0 $0x0;
	p0 =	slt.s32 s1, $0x7D0  }
0x54: {  	s0 =	simm.s32 @p1 $0x0;
	s1 =	simm.s32 @!p0 $0x7D0  }
0x55: {  	s0 =	smul.u32 s2, s0;
	s20 =	ssub.s32 s1, s12  }
0x56: {  	p0 =	slt.s32 s20, $0x1  }
.Ltmp3:
0x57: {  	s2 =	sshrl.u32 s0, $0x1;
	(pc) =	sbr.rel @p0 .LBB1_12-.Ltmp3, $4  }
0x58: {  	s5 =	simm.s32 $0x1;
	s0 =	sand.u32 $0x1, s14;
	s2 =	sand.u32 $0x3FFFFFFF, s2  }
0x59: {  	s30 =	smul.u32 $0x4080, s0;
	_ =	swait.ge [sflag:s5], s2  }
0x5a: {  	s31 =	ssub.s32 $0x0, s2;
	[sflag:s5] =	ssyncset.done $0x0  }
0x5b: {  	s18 =	sshrl.u32 s30, $0x1;
	[sflag:s5] =	ssyncadd.s32 s31  }
0x5c: {  	s1 =	sadd.s32 $0x80, s10  }
0x5d: {  	p0 =	slt.s32 s1, $0x2710  }
.Ltmp4:
0x5e: {  	s1 =	simm.s32 @!p0 $0x2710;
	(pc) =	sbr.rel .LBB1_4-.Ltmp4, $4  }
0x5f: {  	s1 =	ssub.s32 s1, s10  }
0x60: {  	s23 =	sshll.u32 s0, $0xD;
	s2 =	sadd.s32 $0xF, s1;
	s1 =	sadd.s32 $0x1F, s1  }
0x61: {  	s24 =	sor.u32 $0x4000, s18;
	s21 =	sand.u32 $0xFFFFFFF0, s2;
	s22 =	sand.u32 $0xFFFFFF00, s1  }
0x62: {  	s25 =	simm.s32 $0x0;
	p0 =	slt.s32 s1, $0x100;
	p1 =	sge.s32 s22, s21  }
.LBB1_11:
0x63: {  	s25 =	sadd.s32 $0x2, s25  }
0x64: {  	p2 =	slt.s32 s25, s20  }
.Ltmp5:
0x65: {  	_ = 	snop;
	(pc) =	sbr.rel @!p2 .LBB1_12-.Ltmp5, $1  }
0x66: {  	_ =	sdelay $0x3  }
.LBB1_4:
.Ltmp6:
0x67: {  	(pc) =	sbr.rel @p0 .LBB1_8-.Ltmp6, $2  }
0x68: {  	_ =	sdelay $0x2  }
0x69: {  	s27 =	sand.u32 $0x7E, s25;
	s26 =	sshll.u32 s25, $0x6  }
0x6a: {  	s2 =	sand.u32 $0x1F80, s26  }
0x6b: {  	s3 =	sadd.s32 s2, s23  }
0x6c: {  	v0 =	vld [tilespmem:s3+$0x60]  }
0x6d: {  	v1 =	vld [tilespmem:s3+$0x70]  }
0x6e: {  	s5 =	sshll.u32 s27, $0x6;
	v2 =	vld [tilespmem:s3+$0x40]  }
0x6f: {  	s2 =	sadd.s32 s5, s23;
	v3 =	vld [tilespmem:s3+$0x50]  }
0x70: {  	v4 =	vld [tilespmem:s2+$0x30]  }
0x71: {  	v5 =	vld [tilespmem:s3+$0x20]  }
0x72: {  	v6 =	vld [tilespmem:s3+$0x30]  }
0x73: {  	s0 =	sand.u32 $0x3E, s25;
	v7 =	vld [tilespmem:s2+$0x10];
	v1 =	vperm.xlane.i2c.b16 v1;
	v8 =	vperm.xlane.i2c.b16 v0  }
0x74: {  	s1 =	sand.u32 $0x40, s25;
	s0 =	sadd.s32 s0, s24;
	v9 =	vld [tilespmem:s3+$0x0];
	v10 =	vperm.xlane.i2c.b16 v3;
	v2 =	vperm.xlane.i2c.b16 v2  }
0x75: {  	s28 =	sadd.s32 s1, s0;
	v11 =	vld [tilespmem:s3+$0x10];
	v0 =	vcombine.low v8, v1  }
0x76: {  	p2 =	sgt.s32 s22, $0x100;
	s1 =	sadd.s32 $0x1830, s28;
	v3 =	vperm.xlane.i2c.b16 v5;
	v12 =	vcombine.low v2, v10  }
.Ltmp7:
0x77: {  	s5 =	sadd.s32 $0x1020, s28;
	v13 =	vperm.xlane.i2c.b16 v6;
	v4 =	vperm.xlane.i2c.b16 v4;
	[tilespmem:s1+$0x0 ss:$0x81] =	vst.msk $0xffff, v0;
	(pc) =	sbr.rel @!p2 .LBB1_7-.Ltmp7, $4  }
0x78: {  	v6 =	vperm.xlane.i2c.b16 v7;
	v1 =	vcombine.high v8, v1;
	[tilespmem:s5+$0x0 ss:$0x81] =	vst.msk $0xffff, v12  }
0x79: {  	s9 =	sadd.s32 $0x1831, s28;
	v7 =	vperm.xlane.i2c.b16 v9;
	v2 =	vcombine.high v2, v10;
	[tilespmem:s5+$0x0 ss:$0x81] =	vst.msk $0xffff, v12  }
0x7a: {  	s6 =	simm.s32 $0x100;
	s0 =	sadd.s32 $0x1021, s28;
	v9 =	vperm.xlane.i2c.b16 v11;
	v8 =	vcombine.low v3, v13;
	[tilespmem:s9+$0x0 ss:$0x81] =	vst.msk $0xffff, v1  }
0x7b: {  	s29 =	sadd.s32 $0x1, s28;
	s30 =	sadd.s32 $0x810, s28;
	s31 =	sadd.s32 $0x811, s28;
	v5 =	vcombine.low v3, v4;
	v10 =	vcombine.high v3, v13;
	[tilespmem:s0+$0x0 ss:$0x81] =	vst.msk $0xffff, v2  }
.LBB1_6:
0x7c: {  	v11 =	vld [tilespmem:s3+$0x60];
	v12 =	vcombine.low v7, v6;
	v13 =	vcombine.low v7, v9;
	[tilespmem:s30+$0x0 ss:$0x81] =	vst.msk $0xffff, v8  }
0x7d: {  	v6 =	vcombine.high v7, v6;
	v7 =	vcombine.high v7, v9;
	v8 =	vld [tilespmem:s3+$0x70];
	[tilespmem:s31+$0x0 ss:$0x81] =	vst.msk $0xffff, v10  }
0x7e: {  	v3 =	vcombine.high v3, v4;
	v9 =	vld [tilespmem:s3+$0x40];
	[tilespmem:s28+$0x0 ss:$0x81] =	vst.msk $0xffff, v13  }
0x7f: {  	v4 =	vld [tilespmem:s3+$0x50];
	[tilespmem:s29+$0x0 ss:$0x81] =	vst.msk $0xffff, v7  }
0x80: {  	v7 =	vld [tilespmem:s2+$0x30];
	[tilespmem:s28+$0x0 ss:$0x81] =	vst.msk $0xffff, v12  }
0x81: {  	v10 =	vld [tilespmem:s3+$0x20];
	[tilespmem:s29+$0x0 ss:$0x81] =	vst.msk $0xffff, v6  }
0x82: {  	v6 =	vld [tilespmem:s3+$0x30];
	[tilespmem:s30+$0x0 ss:$0x81] =	vst.msk $0xffff, v5  }
0x83: {  	v11 =	vperm.xlane.i2c.b16 v11;
	v8 =	vperm.xlane.i2c.b16 v8;
	v5 =	vld [tilespmem:s2+$0x10];
	[tilespmem:s31+$0x0 ss:$0x81] =	vst.msk $0xffff, v3  }
0x84: {  	v9 =	vperm.xlane.i2c.b16 v9;
	v12 =	vld [tilespmem:s3+$0x0];
	v13 =	vperm.xlane.i2c.b16 v4;
	[tilespmem:s0+$0x0 ss:$0x81] =	vst.msk $0xffff, v2  }
0x85: {  	s6 =	sadd.s32 $0x100, s6;
	v14 =	vld [tilespmem:s3+$0x10];
	[tilespmem:s1+$0x0 ss:$0x81] =	vst.msk $0xffff, v0;
	v0 =	vcombine.low v11, v8  }
0x86: {  	p2 =	slt.s32 s6, s22;
	v15 =	vcombine.low v9, v13;
	[tilespmem:s9+$0x0 ss:$0x81] =	vst.msk $0xffff, v1;
	v1 =	vcombine.high v11, v8  }
.Ltmp8:
0x87: {  	v3 =	vperm.xlane.i2c.b16 v10;
	v10 =	vperm.xlane.i2c.b16 v6;
	[tilespmem:s1+$0x0 ss:$0x81] =	vst.msk $0xffff, v0;
	(pc) =	sbr.rel @p2 .LBB1_6-.Ltmp8, $4  }
0x88: {  	v4 =	vperm.xlane.i2c.b16 v7;
	v2 =	vcombine.high v9, v13;
	[tilespmem:s5+$0x0 ss:$0x81] =	vst.msk $0xffff, v15  }
0x89: {  	v6 =	vperm.xlane.i2c.b16 v5;
	v8 =	vcombine.low v3, v10;
	[tilespmem:s9+$0x0 ss:$0x81] =	vst.msk $0xffff, v1  }
0x8a: {  	v7 =	vperm.xlane.i2c.b16 v12;
	v9 =	vperm.xlane.i2c.b16 v14;
	[tilespmem:s5+$0x0 ss:$0x81] =	vst.msk $0xffff, v15  }
0x8b: {  	v5 =	vcombine.low v3, v4;
	v10 =	vcombine.high v3, v10;
	[tilespmem:s0+$0x0 ss:$0x81] =	vst.msk $0xffff, v2  }
.LBB1_7:
0x8c: {  	[tilespmem:s30+$0x0 ss:$0x81] =	vst.msk $0xffff, v8  }
0x8d: {  	[tilespmem:s0+$0x0 ss:$0x81] =	vst.msk $0xffff, v2  }
0x8e: {  	[tilespmem:s1+$0x0 ss:$0x81] =	vst.msk $0xffff, v0  }
0x8f: {  	[tilespmem:s31+$0x0 ss:$0x81] =	vst.msk $0xffff, v10  }
0x90: {  	v11 =	vcombine.low v7, v9;
	[tilespmem:s30+$0x0 ss:$0x81] =	vst.msk $0xffff, v5  }
0x91: {  	v62 =	vcombine.low v7, v6;
	[tilespmem:s9+$0x0 ss:$0x81] =	vst.msk $0xffff, v1  }
0x92: {  	v3 =	vcombine.high v3, v4;
	[tilespmem:s28+$0x0 ss:$0x81] =	vst.msk $0xffff, v11  }
0x93: {  	v61 =	vcombine.high v7, v9;
	[tilespmem:s28+$0x0 ss:$0x81] =	vst.msk $0xffff, v62  }
0x94: {  	v63 =	vcombine.high v7, v6;
	[tilespmem:s31+$0x0 ss:$0x81] =	vst.msk $0xffff, v3  }
0x95: {  	[tilespmem:s29+$0x0 ss:$0x81] =	vst.msk $0xffff, v61  }
0x96: {  	[tilespmem:s29+$0x0 ss:$0x81] =	vst.msk $0xffff, v63  }
.LBB1_8:
.Ltmp9:
0x97: {  	(pc) =	sbr.rel @p1 .LBB1_11-.Ltmp9, $1  }
0x98: {  	_ =	sdelay $0x3  }
0x99: {  	s0 =	sand.u32 $0x3E, s25;
	s2 =	sshll.u32 s27, $0x8  }
0x9a: {  	s3 =	sand.u32 $0x40, s25;
	s1 =	sadd.s32 s0, s24;
	s0 =	sand.u32 $0x1F80, s26  }
0x9b: {  	s2 =	sshrl.u32 s2, $0x2;
	s1 =	sadd.s32 s3, s1;
	s3 =	smov.u32 s22  }
.LBB1_10:
0x9c: {  	s5 =	sand.u32 $0x40, s3  }
0x9d: {  	s5 =	sadd.s32 s5, s23  }
0x9e: {  	s6 =	sand.u32 $0x20, s3;
	s9 =	sadd.s32 s0, s5  }
0x9f: {  	s5 =	sadd.s32 s2, s5;
	s9 =	sadd.s32 s6, s9  }
0xa0: {  	s5 =	sadd.s32 s6, s5;
	v0 =	vld [tilespmem:s9+$0x0]  }
0xa1: {  	v1 =	vld [tilespmem:s5+$0x10];
	_ =	sdelay $0x3  }
0xa2: {  	s31 =	sand.u32 $0x60, s3;
	s3 =	sadd.s32 $0x20, s3  }
0xa3: {  	p2 =	slt.s32 s3, s21;
	s5 =	smul.u32 $0x102, s31;
	v1 =	vperm.xlane.i2c.b16 v1;
	v0 =	vperm.xlane.i2c.b16 v0  }
.Ltmp10:
0xa4: {  	_ = 	snop;
	(pc) =	sbr.rel @p2 .LBB1_10-.Ltmp10, $4  }
0xa5: {  	s5 =	sshrl.u32 s5, $0x2;
	v2 =	vcombine.low v0, v1  }
0xa6: {  	s5 =	sadd.s32 s5, s1;
	v0 =	vcombine.high v0, v1  }
0xa7: {  	[tilespmem:s5+$0x0 ss:$0x81] =	vst.msk $0xffff, v2  }
0xa8: {  	[tilespmem:s5+$0x1 ss:$0x81] =	vst.msk $0xffff, v0  }
.Ltmp11:
0xa9: {  	_ = 	snop;
	(pc) =	sbr.rel .LBB1_11-.Ltmp11, $1  }
0xaa: {  	_ =	sdelay $0x3  }
.LBB1_14:
0xab: {  	_ =	sfence.sel $0x180000  }
0xac: {  	s0 =	simm.s32 $0x1;
	[bflag:$0x0] =	sbarrier.arrive $0xFFFF  }
0xad: {  	s30 =	simm.s32 $0x2;
	[sflag:s0] =	ssyncpa.u1 $0x1  }
0xae: {  	[sflag:s30] =	ssyncpa.u1 $0x1  }
0xaf: {  	_ =	strace $0x90000047  }
0xb0: {  	s31 =	stileid.u32;
	[bflag:$0x2] =	sbarrier.arrive $0xFFFF  }
0xb1: {  	p0 =	sne.s32 s31, $0x0;
	s0 =	rddreg [dreg:$0x1]  }
0xb2: {  	s0 =	sadd.s32 @!p0 $0x100000, s0  }
0xb3: {  	[sflag:s0] =	ssyncadd.tile.s32 @!p0 $0x1;
	_ =	shalt  }
.Lfunc_end1:
_tile_overlayer_lowered:
.L_overlay_start_2:
0xb4: {  	(tag) =	ssettag $0x2  }
0xb5: {  	s0 =	rddreg [dreg:$0x0];
	s2 =	stileid.u32  }
0xb6: {  	s1 =	rddreg [dreg:$0x1];
	p0 =	sne.s32 s2, $0x0  }
0xb7: {  	s3 =	rddreg [dreg:$0x2];
	[bflag:$0x3] =	sbarrier.arrive $0xFFFF;
	s2 =	simm.s32 @!p0 $0x1C01  }
0xb8: {  	[timem:s3], [sflag:s2] =	dma.local @!p0 [hbm:s0], s1  }
0xb9: {  	s0 =	simm.s32 @!p0 $0x1  }
0xba: {  	_ =	swait.ge @!p0 [sflag:s0], s1  }
0xbb: {  	s1 =	ssub.s32 @!p0 $0x0, s1;
	[sflag:s0] =	ssyncset.done @!p0 $0x0  }
0xbc: {  	[sflag:s0] =	ssyncadd.s32 @!p0 s1  }
0xbd: {  	[bflag:$0x3] =	sbarrier.arrive $0xFFFF  }
0xbe: {  	_ =	shalt  }

</sc_bundles>
